<compile_context>
chip_gen: v7x
topology: tpu7x:2x2x1
jax: 0.10.2.dev20260603
libtpu: 0.0.44.dev20260713+nightly
codegen_flags: <defaults>
</compile_context>

<pallas_src>
import functools

import jax
import jax.numpy as jnp
from jax import lax
from jax.experimental import pallas as pl
from jax.experimental.pallas import tpu as pltpu
from jax.experimental.pallas import tpu_sc as plsc

VOCAB = 1000
HIDDEN = 128
BATCH = 4096
SEQ = 20
SEQ_PAD = 24
N_ROWS = BATCH * SEQ_PAD

_INFO = plsc.get_sparse_core_info()
NC, NS = _INFO.num_cores, _INFO.num_subcores
NW = NC * NS
B_PER_W = N_ROWS // NW
CHUNK = 384
N_CHUNKS = B_PER_W // CHUNK

_sc_mesh = plsc.VectorSubcoreMesh(core_axis_name="c", subcore_axis_name="s")


@functools.partial(
    pl.kernel,
    out_type=jax.ShapeDtypeStruct((N_ROWS, HIDDEN), jnp.float32),
    mesh=_sc_mesh,
    scratch_types=[
        pltpu.VMEM((B_PER_W,), jnp.int32),
        pltpu.VMEM((CHUNK, HIDDEN), jnp.float32),
        pltpu.VMEM((CHUNK, HIDDEN), jnp.float32),
        pltpu.SemaphoreType.DMA,
        pltpu.SemaphoreType.DMA,
        pltpu.SemaphoreType.DMA,
        pltpu.SemaphoreType.DMA,
    ],
)
def _sc_gather(ids_hbm, emb_hbm, out_hbm, idx_v, rows0, rows1,
               gsem0, gsem1, wsem0, wsem1):
    wid = lax.axis_index("s") * NC + lax.axis_index("c")
    base = wid * B_PER_W
    pltpu.sync_copy(ids_hbm.at[pl.ds(base, B_PER_W)], idx_v)
    rows = (rows0, rows1)
    gsem = (gsem0, gsem1)
    wsem = (wsem0, wsem1)

    def outer_body(j, carry):
        for slot in range(2):
            i = 2 * j + slot
            off = i * CHUNK

            @pl.when(j > 0)
            def _wait_prev_writeback():
                pltpu.make_async_copy(
                    rows[slot], out_hbm.at[pl.ds(base, CHUNK)], wsem[slot]
                ).wait()

            pltpu.async_copy(
                emb_hbm.at[idx_v.at[pl.ds(off, CHUNK)]], rows[slot], gsem[slot]
            ).wait()
            pltpu.async_copy(
                rows[slot], out_hbm.at[pl.ds(base + off, CHUNK)], wsem[slot]
            )
        return carry

    lax.fori_loop(0, N_CHUNKS // 2, outer_body, 0)
    for slot in range(2):
        pltpu.make_async_copy(
            rows[slot], out_hbm.at[pl.ds(base, CHUNK)], wsem[slot]
        ).wait()


BB = 128
N_BLOCKS = BATCH // BB


def _proj_kernel(e_ref, w_ref, b_ref, out_ref):
    r = lax.dot_general(
        e_ref[...].astype(jnp.bfloat16), w_ref[...].astype(jnp.bfloat16),
        (((1,), (1,)), ((), ())),
        preferred_element_type=jnp.float32,
    ) + b_ref[...]
    out_ref[...] = r.reshape(BB, SEQ_PAD, VOCAB)[:, :SEQ, :]


def _project(embeds, W, b):
    return pl.pallas_call(
        _proj_kernel,
        grid=(N_BLOCKS,),
        in_specs=[
            pl.BlockSpec((BB * SEQ_PAD, HIDDEN), lambda i: (i, 0)),
            pl.BlockSpec((VOCAB, HIDDEN), lambda i: (0, 0)),
            pl.BlockSpec((1, VOCAB), lambda i: (0, 0)),
        ],
        out_specs=pl.BlockSpec((BB, SEQ, VOCAB), lambda i: (i, 0, 0)),
        out_shape=jax.ShapeDtypeStruct((BATCH, SEQ, VOCAB), jnp.float32),
    )(embeds, W, b.reshape(1, VOCAB))


def kernel(input_ids, positions, emb_table, W, b):
    del positions
    ids = input_ids.astype(jnp.int32)
    ids = jnp.concatenate([ids, ids[:, : SEQ_PAD - SEQ]], axis=1)
    embeds = _sc_gather(ids.reshape(-1), emb_table)
    return _project(embeds, W, b)

# --- scband reference (transcript-rebuilt; emitter-appended) ---
"""Pipeline reference for scband-minimal-user-model-50766513438910 (READ-ONLY COPY).

The authoritative reference and input builder live on the scoring server;
editing this copy changes nothing except your own understanding.
"""

import jax, jax.numpy as jnp
import numpy as np

VOCAB = 1000
HIDDEN = 128

def setup_inputs(seed: int = 0) -> dict:
    key = jax.random.key(seed)
    k1, k2, k3, k4 = jax.random.split(key, 4)
    input_ids = jax.random.randint(k1, (4096, 20), 0, VOCAB, dtype=jnp.int64)
    positions = jnp.arange(4096 * 20, dtype=jnp.int64).reshape(4096, 20)
    emb_table = jax.random.normal(k2, (VOCAB, HIDDEN), dtype=jnp.float32)
    # nn.Linear(hidden_size, 1000): weight [1000, hidden], bias [1000]
    bound = 1.0 / np.sqrt(HIDDEN)
    W = jax.random.uniform(k3, (VOCAB, HIDDEN), dtype=jnp.float32, minval=-bound, maxval=bound)
    b = jax.random.uniform(k4, (VOCAB,), dtype=jnp.float32, minval=-bound, maxval=bound)
    return {"input_ids": input_ids, "positions": positions, "emb_table": emb_table, "W": W, "b": b}

def reference(input_ids, positions, emb_table, W, b):
    # embeds = self.embeddings(input_ids)
    embeds = jnp.take(emb_table, input_ids, axis=0)  # [B, L, H]
    # return self.output(embeds) ; positions is accepted but unused by the module
    logits = jnp.einsum('blh,vh->blv', embeds, W) + b
    return logits

if __name__ == "__main__":
    import jax
    _d = setup_inputs()
    print(jax.jit(kernel)(*tuple(_d.values())))

</pallas_src>

<mosaic_0001>
#map = affine_map<(d0, d1) -> (0)>
#map1 = affine_map<(d0, d1) -> (0, 0)>
module attributes {stable_mosaic.version = 14 : i64} {
  func.func @_sc_gather(%arg0: i32, %arg1: i32, %arg2: memref<98304xi32, #tpu.memory_space<hbm>>, %arg3: memref<1000x128xf32, #tpu.memory_space<hbm>>, %arg4: memref<98304x128xf32, #tpu.memory_space<hbm>>, %arg5: memref<3072xi32, #tpu.memory_space<vmem>>, %arg6: memref<384x128xf32, #tpu.memory_space<vmem>>, %arg7: memref<384x128xf32, #tpu.memory_space<vmem>>, %arg8: memref<!tpu.dma_semaphore, #tpu.memory_space<semaphore_mem>>, %arg9: memref<!tpu.dma_semaphore, #tpu.memory_space<semaphore_mem>>, %arg10: memref<!tpu.dma_semaphore, #tpu.memory_space<semaphore_mem>>, %arg11: memref<!tpu.dma_semaphore, #tpu.memory_space<semaphore_mem>>) attributes {dimension_semantics = [#tpu.dimension_semantics<core_parallel>, #tpu.dimension_semantics<subcore_parallel>], iteration_bounds = array<i64: 2, 16>, scalar_prefetch = 0 : i64, scratch_operands = 7 : i64, tpu.core_type = #tpu.core_type<sc_vector_subcore>, window_params = [{transform_indices = #map}, {transform_indices = #map1}, {transform_indices = #map1}]} {
    %mul3A = arith.constant 2 : i32
    %mul3A_0 = arith.muli %arg1, %mul3A : i32
    %add3A = arith.addi %mul3A_0, %arg0 : i32
    %mul3A_1 = arith.constant 3072 : i32
    %mul3A_2 = arith.muli %add3A, %mul3A_1 : i32
    "tpu.region"() ({
      %run_scoped3A = tpu.sem_alloc : memref<!tpu.dma_semaphore, #tpu.memory_space<semaphore_mem>>
      %dma_start3A = tpu.memref_slice %arg2[%mul3A_2] : memref<98304xi32, #tpu.memory_space<hbm>> -> memref<3072xi32, #tpu.memory_space<hbm>>
      %dma_start3A_15 = tpu.memref_slice %arg2[%mul3A_2] : memref<98304xi32, #tpu.memory_space<hbm>> -> memref<3072xi32, #tpu.memory_space<hbm>>
      tpu.enqueue_dma source(%dma_start3A_15 : memref<3072xi32, #tpu.memory_space<hbm>>) target(%arg5 : memref<3072xi32, #tpu.memory_space<vmem>>) target_semaphore(%run_scoped3A : memref<!tpu.dma_semaphore, #tpu.memory_space<semaphore_mem>>)
      %dma_wait3A_16 = tpu.memref_slice %arg2[%mul3A_2] : memref<98304xi32, #tpu.memory_space<hbm>> -> memref<3072xi32, #tpu.memory_space<hbm>>
      %dma_wait3A_17 = tpu.memref_slice %arg2[%mul3A_2] : memref<98304xi32, #tpu.memory_space<hbm>> -> memref<3072xi32, #tpu.memory_space<hbm>>
      tpu.wait_dma2 semaphore(%run_scoped3A : memref<!tpu.dma_semaphore, #tpu.memory_space<semaphore_mem>>) src(%dma_wait3A_17 : memref<3072xi32, #tpu.memory_space<hbm>>) dst(%arg5 : memref<3072xi32, #tpu.memory_space<vmem>>)
      tpu.yield
    }) : () -> ()
    %scan3A = arith.constant 0 : i32
    %scan3A_3 = arith.constant 0 : i32
    %scan3A_4 = arith.constant 4 : i32
    %scan3A_5 = arith.addi %scan3A_3, %scan3A_4 : i32
    %scan3A_6 = arith.constant 1 : i32
    scf.for %scan3A_15 = %scan3A_3 to %scan3A_5 step %scan3A_6  : i32 {
      %mul3A_16 = arith.constant 2 : i32
      %mul3A_17 = arith.muli %mul3A_16, %scan3A_15 : i32
      %add3A_18 = arith.constant 0 : i32
      %add3A_19 = arith.addi %mul3A_17, %add3A_18 : i32
      %mul3A_20 = arith.constant 384 : i32
      %mul3A_21 = arith.muli %add3A_19, %mul3A_20 : i32
      %gt3A = arith.constant 0 : i32
      %gt3A_22 = arith.cmpi sgt, %scan3A_15, %gt3A : i32
      %convert_element_type3A = arith.extui %gt3A_22 : i1 to i32
      %cond3A = arith.constant 0 : i32
      %cond3A_23 = arith.cmpi ne, %convert_element_type3A, %cond3A : i32
      scf.if %cond3A_23 {
        %dma_wait3A_60 = arith.constant 0 : i32
        %dma_wait3A_61 = tpu.memref_slice %arg4[%mul3A_2, %dma_wait3A_60] : memref<98304x128xf32, #tpu.memory_space<hbm>> -> memref<384x128xf32, #tpu.memory_space<hbm>>
        %dma_wait3A_62 = arith.constant 0 : i32
        %dma_wait3A_63 = tpu.memref_slice %arg4[%mul3A_2, %dma_wait3A_62] : memref<98304x128xf32, #tpu.memory_space<hbm>> -> memref<384x128xf32, #tpu.memory_space<hbm>>
        tpu.wait_dma2 semaphore(%arg10 : memref<!tpu.dma_semaphore, #tpu.memory_space<semaphore_mem>>) src(%arg6 : memref<384x128xf32, #tpu.memory_space<vmem>>) dst(%dma_wait3A_63 : memref<384x128xf32, #tpu.memory_space<hbm>>)
      } else {
      }
      %dma_start3A = tpu.memref_slice %arg5[%mul3A_21] : memref<3072xi32, #tpu.memory_space<vmem>> -> memref<384xi32, #tpu.memory_space<vmem>>
      %dma_start3A_24 = arith.constant 0 : i32
      %dma_start3A_25 = arith.constant 0 : i32
      %dma_start3A_26 = tpu.memref_slice %arg3[%dma_start3A_24, %dma_start3A_25] : memref<1000x128xf32, #tpu.memory_space<hbm>> -> memref<1000x128xf32, #tpu.memory_space<hbm>>
      tpu.enqueue_indirect_dma source(%dma_start3A_26 : memref<1000x128xf32, #tpu.memory_space<hbm>>) target(%arg6 : memref<384x128xf32, #tpu.memory_space<vmem>>) offsets(%dma_start3A : memref<384xi32, #tpu.memory_space<vmem>>) semaphore(%arg8 : memref<!tpu.dma_semaphore, #tpu.memory_space<semaphore_mem>>)
      %dma_wait3A_27 = tpu.memref_slice %arg5[%mul3A_21] : memref<3072xi32, #tpu.memory_space<vmem>> -> memref<384xi32, #tpu.memory_space<vmem>>
      %dma_wait3A_28 = arith.constant 0 : i32
      %dma_wait3A_29 = arith.constant 0 : i32
      %dma_wait3A_30 = tpu.memref_slice %arg3[%dma_wait3A_28, %dma_wait3A_29] : memref<1000x128xf32, #tpu.memory_space<hbm>> -> memref<1000x128xf32, #tpu.memory_space<hbm>>
      tpu.wait_indirect_dma semaphore(%arg8 : memref<!tpu.dma_semaphore, #tpu.memory_space<semaphore_mem>>) src(%dma_wait3A_30 : memref<1000x128xf32, #tpu.memory_space<hbm>>) dst(%arg6 : memref<384x128xf32, #tpu.memory_space<vmem>>)
      %add3A_31 = arith.addi %mul3A_2, %mul3A_21 : i32
      %dma_start3A_32 = arith.constant 0 : i32
      %dma_start3A_33 = tpu.memref_slice %arg4[%add3A_31, %dma_start3A_32] : memref<98304x128xf32, #tpu.memory_space<hbm>> -> memref<384x128xf32, #tpu.memory_space<hbm>>
      %dma_start3A_34 = arith.constant 0 : i32
      %dma_start3A_35 = tpu.memref_slice %arg4[%add3A_31, %dma_start3A_34] : memref<98304x128xf32, #tpu.memory_space<hbm>> -> memref<384x128xf32, #tpu.memory_space<hbm>>
      tpu.enqueue_dma source(%arg6 : memref<384x128xf32, #tpu.memory_space<vmem>>) target(%dma_start3A_35 : memref<384x128xf32, #tpu.memory_space<hbm>>) target_semaphore(%arg10 : memref<!tpu.dma_semaphore, #tpu.memory_space<semaphore_mem>>)
      %mul3A_36 = arith.constant 2 : i32
      %mul3A_37 = arith.muli %mul3A_36, %scan3A_15 : i32
      %add3A_38 = arith.constant 1 : i32
      %add3A_39 = arith.addi %mul3A_37, %add3A_38 : i32
      %mul3A_40 = arith.constant 384 : i32
      %mul3A_41 = arith.muli %add3A_39, %mul3A_40 : i32
      %gt3A_42 = arith.constant 0 : i32
      %gt3A_43 = arith.cmpi sgt, %scan3A_15, %gt3A_42 : i32
      %convert_element_type3A_44 = arith.extui %gt3A_43 : i1 to i32
      %cond3A_45 = arith.constant 0 : i32
      %cond3A_46 = arith.cmpi ne, %convert_element_type3A_44, %cond3A_45 : i32
      scf.if %cond3A_46 {
        %dma_wait3A_60 = arith.constant 0 : i32
        %dma_wait3A_61 = tpu.memref_slice %arg4[%mul3A_2, %dma_wait3A_60] : memref<98304x128xf32, #tpu.memory_space<hbm>> -> memref<384x128xf32, #tpu.memory_space<hbm>>
        %dma_wait3A_62 = arith.constant 0 : i32
        %dma_wait3A_63 = tpu.memref_slice %arg4[%mul3A_2, %dma_wait3A_62] : memref<98304x128xf32, #tpu.memory_space<hbm>> -> memref<384x128xf32, #tpu.memory_space<hbm>>
        tpu.wait_dma2 semaphore(%arg11 : memref<!tpu.dma_semaphore, #tpu.memory_space<semaphore_mem>>) src(%arg7 : memref<384x128xf32, #tpu.memory_space<vmem>>) dst(%dma_wait3A_63 : memref<384x128xf32, #tpu.memory_space<hbm>>)
      } else {
      }
      %dma_start3A_47 = tpu.memref_slice %arg5[%mul3A_41] : memref<3072xi32, #tpu.memory_space<vmem>> -> memref<384xi32, #tpu.memory_space<vmem>>
      %dma_start3A_48 = arith.constant 0 : i32
      %dma_start3A_49 = arith.constant 0 : i32
      %dma_start3A_50 = tpu.memref_slice %arg3[%dma_start3A_48, %dma_start3A_49] : memref<1000x128xf32, #tpu.memory_space<hbm>> -> memref<1000x128xf32, #tpu.memory_space<hbm>>
      tpu.enqueue_indirect_dma source(%dma_start3A_50 : memref<1000x128xf32, #tpu.memory_space<hbm>>) target(%arg7 : memref<384x128xf32, #tpu.memory_space<vmem>>) offsets(%dma_start3A_47 : memref<384xi32, #tpu.memory_space<vmem>>) semaphore(%arg9 : memref<!tpu.dma_semaphore, #tpu.memory_space<semaphore_mem>>)
      %dma_wait3A_51 = tpu.memref_slice %arg5[%mul3A_41] : memref<3072xi32, #tpu.memory_space<vmem>> -> memref<384xi32, #tpu.memory_space<vmem>>
      %dma_wait3A_52 = arith.constant 0 : i32
      %dma_wait3A_53 = arith.constant 0 : i32
      %dma_wait3A_54 = tpu.memref_slice %arg3[%dma_wait3A_52, %dma_wait3A_53] : memref<1000x128xf32, #tpu.memory_space<hbm>> -> memref<1000x128xf32, #tpu.memory_space<hbm>>
      tpu.wait_indirect_dma semaphore(%arg9 : memref<!tpu.dma_semaphore, #tpu.memory_space<semaphore_mem>>) src(%dma_wait3A_54 : memref<1000x128xf32, #tpu.memory_space<hbm>>) dst(%arg7 : memref<384x128xf32, #tpu.memory_space<vmem>>)
      %add3A_55 = arith.addi %mul3A_2, %mul3A_41 : i32
      %dma_start3A_56 = arith.constant 0 : i32
      %dma_start3A_57 = tpu.memref_slice %arg4[%add3A_55, %dma_start3A_56] : memref<98304x128xf32, #tpu.memory_space<hbm>> -> memref<384x128xf32, #tpu.memory_space<hbm>>
      %dma_start3A_58 = arith.constant 0 : i32
      %dma_start3A_59 = tpu.memref_slice %arg4[%add3A_55, %dma_start3A_58] : memref<98304x128xf32, #tpu.memory_space<hbm>> -> memref<384x128xf32, #tpu.memory_space<hbm>>
      tpu.enqueue_dma source(%arg7 : memref<384x128xf32, #tpu.memory_space<vmem>>) target(%dma_start3A_59 : memref<384x128xf32, #tpu.memory_space<hbm>>) target_semaphore(%arg11 : memref<!tpu.dma_semaphore, #tpu.memory_space<semaphore_mem>>)
    }
    %scan3A_7 = arith.constant 4 : i32
    %dma_wait3A = arith.constant 0 : i32
    %dma_wait3A_8 = tpu.memref_slice %arg4[%mul3A_2, %dma_wait3A] : memref<98304x128xf32, #tpu.memory_space<hbm>> -> memref<384x128xf32, #tpu.memory_space<hbm>>
    %dma_wait3A_9 = arith.constant 0 : i32
    %dma_wait3A_10 = tpu.memref_slice %arg4[%mul3A_2, %dma_wait3A_9] : memref<98304x128xf32, #tpu.memory_space<hbm>> -> memref<384x128xf32, #tpu.memory_space<hbm>>
    tpu.wait_dma2 semaphore(%arg10 : memref<!tpu.dma_semaphore, #tpu.memory_space<semaphore_mem>>) src(%arg6 : memref<384x128xf32, #tpu.memory_space<vmem>>) dst(%dma_wait3A_10 : memref<384x128xf32, #tpu.memory_space<hbm>>)
    %dma_wait3A_11 = arith.constant 0 : i32
    %dma_wait3A_12 = tpu.memref_slice %arg4[%mul3A_2, %dma_wait3A_11] : memref<98304x128xf32, #tpu.memory_space<hbm>> -> memref<384x128xf32, #tpu.memory_space<hbm>>
    %dma_wait3A_13 = arith.constant 0 : i32
    %dma_wait3A_14 = tpu.memref_slice %arg4[%mul3A_2, %dma_wait3A_13] : memref<98304x128xf32, #tpu.memory_space<hbm>> -> memref<384x128xf32, #tpu.memory_space<hbm>>
    tpu.wait_dma2 semaphore(%arg11 : memref<!tpu.dma_semaphore, #tpu.memory_space<semaphore_mem>>) src(%arg7 : memref<384x128xf32, #tpu.memory_space<vmem>>) dst(%dma_wait3A_14 : memref<384x128xf32, #tpu.memory_space<hbm>>)
    return
  }
}

module attributes {stable_mosaic.version = 14 : i64} {
  func.func @_proj_kernel(%arg0: i32, %arg1: memref<3072x128xf32, #tpu.memory_space<vmem>>, %arg2: memref<1000x128xf32, #tpu.memory_space<vmem>>, %arg3: memref<1x1000xf32, #tpu.memory_space<vmem>>, %arg4: memref<128x20x1000xf32, #tpu.memory_space<vmem>>) attributes {dimension_semantics = [#tpu.dimension_semantics<arbitrary>], iteration_bounds = array<i64: 32>, scalar_prefetch = 0 : i64, scratch_operands = 0 : i64, tpu.core_type = #tpu.core_type<tc>, window_params = [{transform_indices = @transform_0, window_bounds = array<i64: 3072, 128>}, {pipeline_mode = #tpu.pipeline_mode<synchronous>, transform_indices = @transform_1, window_bounds = array<i64: 1000, 128>}, {pipeline_mode = #tpu.pipeline_mode<synchronous>, transform_indices = @transform_2, window_bounds = array<i64: 1, 1000>}, {transform_indices = @transform_3, window_bounds = array<i64: 128, 20, 1000>}]} {
    %get3A = arith.constant 0 : index
    %get3A_0 = arith.constant 0 : index
    %get3A_1 = vector.load %arg1[%get3A, %get3A_0] : memref<3072x128xf32, #tpu.memory_space<vmem>>, vector<3072x128xf32>
    %convert_element_type3A = arith.truncf %get3A_1 : vector<3072x128xf32> to vector<3072x128xbf16>
    %get3A_2 = arith.constant 0 : index
    %get3A_3 = arith.constant 0 : index
    %get3A_4 = vector.load %arg2[%get3A_2, %get3A_3] : memref<1000x128xf32, #tpu.memory_space<vmem>>, vector<1000x128xf32>
    %convert_element_type3A_5 = arith.truncf %get3A_4 : vector<1000x128xf32> to vector<1000x128xbf16>
    %dot_general3A = arith.constant dense<0.000000e+00> : vector<3072x1000xf32>
    %dot_general3A_6 = tpu.matmul %convert_element_type3A, %convert_element_type3A_5, %dot_general3A {dimension_numbers = #tpu.dot_dimension_numbers<[1], [1], [0], [0], [0, 0, 1, 0], [], []>, transpose_lhs_hint = false} : vector<3072x128xbf16>, vector<1000x128xbf16>, vector<3072x1000xf32> -> vector<3072x1000xf32>
    %get3A_7 = arith.constant 0 : index
    %get3A_8 = arith.constant 0 : index
    %get3A_9 = vector.load %arg3[%get3A_7, %get3A_8] : memref<1x1000xf32, #tpu.memory_space<vmem>>, vector<1x1000xf32>
    %add3A = vector.broadcast %get3A_9 : vector<1x1000xf32> to vector<3072x1000xf32>
    %add3A_10 = arith.addf %dot_general3A_6, %add3A : vector<3072x1000xf32>
    %reshape3A = vector.shape_cast %add3A_10 : vector<3072x1000xf32> to vector<128x24x1000xf32>
    %slice3A = vector.extract_strided_slice %reshape3A {offsets = [0, 0, 0], sizes = [128, 20, 1000], strides = [1, 1, 1]} : vector<128x24x1000xf32> to vector<128x20x1000xf32>
    %swap3A = arith.constant 0 : index
    %swap3A_11 = arith.constant 0 : index
    %swap3A_12 = arith.constant 0 : index
    %swap3A_13 = vector.load %arg4[%swap3A, %swap3A_11, %swap3A_12] : memref<128x20x1000xf32, #tpu.memory_space<vmem>>, vector<128x20x1000xf32>
    tpu.vector_store %arg4[%swap3A, %swap3A_11, %swap3A_12], %slice3A {strides = array<i32>} : memref<128x20x1000xf32, #tpu.memory_space<vmem>>, vector<128x20x1000xf32>,
    return
  }
  func.func @transform_0(%arg0: i32) -> (i32, i32) {
    %c0_i32 = arith.constant 0 : i32
    %c0_i32_0 = arith.constant 0 : i32
    return %arg0, %c0_i32 : i32, i32
  }
  func.func @transform_1(%arg0: i32) -> (i32, i32) {
    %c0_i32 = arith.constant 0 : i32
    %c0_i32_0 = arith.constant 0 : i32
    %c0_i32_1 = arith.constant 0 : i32
    return %c0_i32, %c0_i32_0 : i32, i32
  }
  func.func @transform_2(%arg0: i32) -> (i32, i32) {
    %c0_i32 = arith.constant 0 : i32
    %c0_i32_0 = arith.constant 0 : i32
    %c0_i32_1 = arith.constant 0 : i32
    return %c0_i32, %c0_i32_0 : i32, i32
  }
  func.func @transform_3(%arg0: i32) -> (i32, i32, i32) {
    %c0_i32 = arith.constant 0 : i32
    %c0_i32_0 = arith.constant 0 : i32
    %c0_i32_1 = arith.constant 0 : i32
    return %arg0, %c0_i32, %c0_i32_0 : i32, i32, i32
  }
}

</mosaic_0001>

<sc_bundles>
// kernel: kernel.4.cloned.1.call-start
scs
__scs_entry_jumppad:
0x0: {  	(pc) =	sbr.rel $0x88, $3  }
0x1: {  	(tag) =	ssettag $0x0;
	lr =	simm.s32 $0x1  }
0x2: {  	[smem:$0x3F9D] =	sst lr;
	_ =	strace $0xD0000000  }
0x3: {  	_ = 	snop  }
0x4: {  	_ = 	snop  }
0x5: {  	_ = 	snop  }
0x6: {  	_ = 	snop  }
0x7: {  	_ = 	snop  }
__scs_overlays_trampoline_lowered:
0x8: {  	[smem:$0x3FAC] =	sst s0  }
0x9: {  	[smem:$0x3FAD] =	sst s1  }
0xa: {  	[smem:$0x3FAE] =	sst s2  }
0xb: {  	[smem:$0x3FAF] =	sst s3  }
0xc: {  	[smem:$0x3FB0] =	sst s4  }
0xd: {  	[smem:$0x3FB1] =	sst s5  }
0xe: {  	[smem:$0x3FB2] =	sst s6  }
0xf: {  	[smem:$0x3FB3] =	sst s7  }
0x10: {  	[smem:$0x3FB4] =	sst s8  }
0x11: {  	[smem:$0x3FB5] =	sst s9;
	s0 =	simm.s32 @!p0 $0x0  }
0x12: {  	s1 =	sld [smem:$0x3F9B];
	s0 =	simm.s32 @p0 $0x1  }
0x13: {  	[smem:$0x3FB6] =	sst s0;
	s0 =	simm.s32 @!p1 $0x0  }
0x14: {  	s2 =	sld [smem:$0x3F9A];
	s0 =	simm.s32 @p1 $0x1  }
0x15: {  	[smem:$0x3FB7] =	sst s0;
	s0 =	simm.s32 @!p2 $0x0  }
0x16: {  	s3 =	sld [smem:$0x3FDB];
	s0 =	simm.s32 @p2 $0x1  }
0x17: {  	s4 =	simm.s32 $0x1BF5;
	[smem:$0x3FB9] =	sst s0  }
0x18: {  	s0 =	sld [smem:$0x3F9C];
	_ =	swait.ge [sflag:s4], $0x0  }
0x19: {  	s7 =	sld [smem:$0x3F9D]  }
0x1a: {  	s8 =	sadd.s32 $0xFFFFE003, lr  }
0x1b: {  	s9 =	sadd.s32 $0xFFFFFEF7, lr;
	s5 =	simm.s32 $0xFFFFFFFF;
	p2 =	slt.u32 s8, $0xFFFFF086  }
0x1c: {  	p1 =	slt.u32 s9, $0xF7A;
	s5 =	simm.s32 @!p2 $0x0  }
0x1d: {  	s5 =	simm.s32 @p1 $0x1;
	p0 =	seq.s32 s7, s2  }
0x1e: {  	s7 =	smul.u32 @!p0 $0xF7A, s2;
	p2 =	seq.s32 @!p0 s5, $0x0  }
0x1f: {  	s9 =	smul.u32 $0xF7A, s1;
	s8 =	simm.s32 @!p0 $0x1BF5;
	p2 =	por !p2, p0  }
0x20: {  	[sflag:s8] =	ssyncset.s32 @!p0 $0xFFFFF086;
	s6 =	sadd.s32 @!p0 s3, s7;
	s7 =	simm.s32 @!p0 $0x108  }
0x21: {  	s3 =	sadd.s32 s3, s9;
	s6 =	sadd.s32 @!p0 $0x88, s6;
	s7 =	simm.s32 @p2 $0x1082  }
0x22: {  	[simem:s7], [sflag:s8] =	dma.local @!p0 [hbm:s6], $0xF7A  }
0x23: {  	s9 =	sor.u32 $0xD0000000, s2;
	s6 =	simm.s32 $0x108;
	_ =	swait.ge @!p0 [sflag:s8], $0x0  }
0x24: {  	s3 =	sadd.s32 $0x88, s3;
	s6 =	simm.s32 @!p1 $0x1082;
	[sflag:s4] =	ssyncset.s32 $0xFFFFF086  }
0x25: {  	[simem:s6], [sflag:s4] =	dma.local [hbm:s3], $0xF7A  }
0x26: {  	[smem:$0x3F9D] =	sst s1;
	(tag) =	ssettag s2;
	_ =	strace s9  }
0x27: {  	s1 =	sld [smem:$0x3FAD]  }
0x28: {  	s2 =	sld [smem:$0x3FAE]  }
0x29: {  	s4 =	sld [smem:$0x3FB0]  }
0x2a: {  	p0 =	seq.s32 s5, $0x0;
	s5 =	sld [smem:$0x3FB1]  }
0x2b: {  	s6 =	sld [smem:$0x3FB2]  }
0x2c: {  	s7 =	sld [smem:$0x3FB3]  }
0x2d: {  	s3 =	simm.s32 $0x108;
	s8 =	sld [smem:$0x3FB4]  }
0x2e: {  	s3 =	simm.s32 @!p0 $0x1082;
	s9 =	sld [smem:$0x3FB5]  }
0x2f: {  	lr =	sadd.s32 s0, s3;
	s0 =	sld [smem:$0x3FAC]  }
0x30: {  	s3 =	sld [smem:$0x3FAF]  }
0x31: {  	[smem:$0x3FB8] =	sst s10  }
0x32: {  	s10 =	sld [smem:$0x3FB6];
	_ =	sdelay $0x3  }
0x33: {  	p0 =	seq.s32 s10, $0x1;
	s10 =	sld [smem:$0x3FB8];
	_ =	sdelay $0x3  }
0x34: {  	[smem:$0x3FB8] =	sst s10  }
0x35: {  	s10 =	sld [smem:$0x3FB7];
	_ =	sdelay $0x3  }
0x36: {  	p1 =	seq.s32 s10, $0x1;
	s10 =	sld [smem:$0x3FB8];
	_ =	sdelay $0x3  }
0x37: {  	[smem:$0x3FB8] =	sst s10  }
0x38: {  	s10 =	sld [smem:$0x3FB9]  }
0x39: {  	_ = 	snop;
	(pc) =	sbr.ind lr, $3  }
0x3a: {  	_ = 	snop  }
0x3b: {  	_ = 	snop  }
0x3c: {  	p2 =	seq.s32 s10, $0x1;
	s10 =	sld [smem:$0x3FB8]  }
0x3d: {  	_ =	shalt  }
0x3e: {  	_ =	shalt  }
0x3f: {  	_ =	shalt  }
0x40: {  	_ =	shalt  }
0x41: {  	_ =	shalt  }
0x42: {  	_ =	shalt  }
0x43: {  	_ =	shalt  }
0x44: {  	_ =	shalt  }
0x45: {  	_ =	shalt  }
0x46: {  	_ =	shalt  }
0x47: {  	_ =	shalt  }
0x48: {  	_ =	shalt  }
0x49: {  	_ =	shalt  }
0x4a: {  	_ =	shalt  }
0x4b: {  	_ =	shalt  }
0x4c: {  	_ =	shalt  }
0x4d: {  	_ =	shalt  }
0x4e: {  	_ =	shalt  }
0x4f: {  	_ =	shalt  }
0x50: {  	_ =	shalt  }
0x51: {  	_ =	shalt  }
0x52: {  	_ =	shalt  }
0x53: {  	_ =	shalt  }
0x54: {  	_ =	shalt  }
0x55: {  	_ =	shalt  }
0x56: {  	_ =	shalt  }
0x57: {  	_ =	shalt  }
0x58: {  	_ =	shalt  }
0x59: {  	_ =	shalt  }
0x5a: {  	_ =	shalt  }
0x5b: {  	_ =	shalt  }
0x5c: {  	_ =	shalt  }
0x5d: {  	_ =	shalt  }
0x5e: {  	_ =	shalt  }
0x5f: {  	_ =	shalt  }
0x60: {  	_ =	shalt  }
0x61: {  	_ =	shalt  }
0x62: {  	_ =	shalt  }
0x63: {  	_ =	shalt  }
0x64: {  	_ =	shalt  }
0x65: {  	_ =	shalt  }
0x66: {  	_ =	shalt  }
0x67: {  	_ =	shalt  }
0x68: {  	_ =	shalt  }
0x69: {  	_ =	shalt  }
0x6a: {  	_ =	shalt  }
0x6b: {  	_ =	shalt  }
0x6c: {  	_ =	shalt  }
0x6d: {  	_ =	shalt  }
0x6e: {  	_ =	shalt  }
0x6f: {  	_ =	shalt  }
0x70: {  	_ =	shalt  }
0x71: {  	_ =	shalt  }
0x72: {  	_ =	shalt  }
0x73: {  	_ =	shalt  }
0x74: {  	_ =	shalt  }
0x75: {  	_ =	shalt  }
0x76: {  	_ =	shalt  }
0x77: {  	_ =	shalt  }
0x78: {  	_ =	shalt  }
0x79: {  	_ =	shalt  }
0x7a: {  	_ =	shalt  }
0x7b: {  	_ =	shalt  }
0x7c: {  	_ =	shalt  }
0x7d: {  	_ =	shalt  }
0x7e: {  	_ =	shalt  }
0x7f: {  	_ =	shalt  }
0x80: {  	_ =	shalt  }
0x81: {  	_ =	shalt  }
0x82: {  	_ =	shalt  }
0x83: {  	_ =	shalt  }
0x84: {  	_ =	shalt  }
0x85: {  	_ =	shalt  }
0x86: {  	_ =	shalt  }
0x87: {  	_ =	shalt  }
.Lfunc_end0:
.L_simem_size_0:
called_computation_lowered:
.L_overlay_start_0:
0x88: {  	s2 =	sld [smem:$0x3FD9]  }
0x89: {  	s3 =	sld [smem:$0x3FFE];
	_ =	sdelay $0x1  }
0x8a: {  	s1 =	srdreg.scid  }
0x8b: {  	s0 =	sand.u32 $0x1, s1  }
0x8c: {  	s17 =	sshll.u32 s0, $0xA;
	s2 =	sadd.s32 s3, s2  }
0x8d: {  	s2 =	sadd.s32 s2, s17  }
0x8e: {  	[smem:$0x3FC4] =	sst s2  }
0x8f: {  	_ = 	snop  }
0x90: {  	s2 =	sld [smem:$0x3FC8]  }
0x91: {  	s18 =	sld [smem:$0x3FD0];
	(tm) =	ssettm $0x1  }
0x92: {  	s4 =	sld [smem:$0x3FFB];
	_ =	sdelay $0x3  }
0x93: {  	_ =	strace s4  }
0x94: {  	s4 =	sld [smem:$0x3FFC];
	_ =	sdelay $0x3  }
0x95: {  	_ =	strace s4  }
0x96: {  	s4 =	sld [smem:$0x3FFD];
	_ =	sdelay $0x3  }
0x97: {  	_ =	strace s4  }
0x98: {  	_ =	strace $0x8FFFFFFF  }
0x99: {  	s19 =	sld [smem:$0x3FDB];
	_ =	sdelay $0x1  }
0x9a: {  	s5 =	simm.s32 $_scs_section_size  }
0x9b: {  	s6 =	simm.s32 $_size__tile_overlayer_lowered;
	s7 =	simm.s32 $_tile_overlayer_lowered  }
0x9c: {  	s22 =	simm.s32 $0x1BFF;
	s21 =	sshll.u32 s7, $0x1;
	s4 =	sadd.s32 s5, s19  }
0x9d: {  	s8 =	simm.s32 $0x0;
	s20 =	sshll.u32 s6, $0x1;
	s6 =	sadd.s32 s21, s4  }
0x9e: {  	[timem:s8], [sflag:s22] =	dma.local [hbm:s6], s20  }
0x9f: {  	_ =	swait.ge [sflag:s22], s20  }
0xa0: {  	s5 =	ssub.s32 $0x0, s20;
	[sflag:s22] =	ssyncset.done $0x0  }
0xa1: {  	[sflag:s22] =	ssyncadd.s32 s5;
	_ =	sdelay $0x1  }
0xa2: {  	s23 =	simm.s32 $0x1B8B  }
0xa3: {  	_ =	swait.ge [sflag:s23], $0x1  }
0xa4: {  	[sflag:s23] =	ssyncset.done $0x0  }
0xa5: {  	s25 =	simm.s32 $0x1B8E;
	s24 =	sld [smem:$0x3FFE];
	[sflag:s23] =	ssyncadd.s32 $0xFFFFFFFF  }
0xa6: {  	s26 =	simm.s32 $execute0_lowered;
	[smem:$0x3FD2] =	sst s25  }
0xa7: {  	s6 =	sshll.u32 s26, $0x1;
	_ =	strace $0x80000046;
	[dreg:$0x1] =	wrdreg $0xFFFFFFFF  }
0xa8: {  	s28 =	simm.s32 $_size_execute0_lowered;
	s4 =	sadd.s32 s4, s6;
	[dreg:$0x0] =	wrdreg $0x0  }
0xa9: {  	s6 =	sshll.u32 s28, $0x1;
	[dreg:$0x2] =	wrdreg s4  }
0xaa: {  	[dreg:$0x3] =	wrdreg s6  }
0xab: {  	[dreg:$0x4] =	wrdreg $0xC0  }
0xac: {  	_ =	task [dreg:s8], $0x5FFFF  }
0xad: {  	[dreg:$0x1] =	wrdreg $0xFFFFFFFF  }
0xae: {  	[dreg:$0x0] =	wrdreg $0x60  }
0xaf: {  	[dreg:$0x2] =	wrdreg s24  }
0xb0: {  	[dreg:$0x3] =	wrdreg s2  }
0xb1: {  	[dreg:$0x4] =	wrdreg s18  }
0xb2: {  	[dreg:$0x5] =	wrdreg $0x9  }
0xb3: {  	_ =	task.clear_ibuf [dreg:s8], $0x6FFFF;
	_ =	strace $0x90000046  }
0xb4: {  	s29 =	simm.s32 $0x9;
	_ =	strace $0x80000048  }
0xb5: {  	_ =	swait.ge [sflag:s29], $0x1  }
0xb6: {  	[sflag:s29] =	ssyncadd.s32 $0xFFFFFFFF  }
0xb7: {  	_ =	strace $0x90000048  }
0xb8: {  	_ =	sfence  }
0xb9: {  	s30 =	sld [smem:$0x0];
	_ =	sdelay $0x2  }
0xba: {  	s31 =	sshll.u32 s1, $0xD;
	s1 =	sshrl.u32 s1, $0x2  }
0xbb: {  	s3 =	sand.u32 $0x4000, s31;
	s1 =	sadd.s32 s1, s30  }
0xbc: {  	s0 =	sor.u32 s3, s0;
	s1 =	sshll.u32 s1, $0x11  }
0xbd: {  	s0 =	sor.u32 s1, s0  }
0xbe: {  	s0 =	sadd.s32 $0x8F2B, s0  }
0xbf: {  	[sflag:s0] =	ssyncadd.remote.s32 $0x1  }
0xc0: {  	_ =	sfence.sel $0xFFFF  }
0xc1: {  	[dreg:$0x0] =	wrdreg $0xFFFFFFFF;
	(pc) =	sbr.abs _section_cstart, $3  }
0xc2: {  	[dreg:$0x1] =	wrdreg $0xFFFFFFFF  }
0xc3: {  	_ =	task.clear_ibuf [dreg:s8], $0x2FFFF;
	_ =	strace $0x9FFFFFFF  }
0xc4: {  	(tm) =	ssettm $0x7FFFFFFF  }
0xc5: {  	_ =	shalt  }
tec
execute0_lowered:
.L_overlay_start_1:
0x0: {  	(tag) =	ssettag $0x1  }
0x1: {  	s1 =	srdreg.scid;
	s0 =	stileid.u32  }
0x2: {  	s4 =	rddreg [dreg:$0x0];
	s26 =	sand.u32 $0x1, s1;
	s31 =	sshll.u32 s0, $0x1  }
0x3: {  	s2 =	rddreg [dreg:$0x1];
	s9 =	sor.u32 s26, s31  }
0x4: {  	s10 =	rddreg [dreg:$0x2];
	s5 =	smul.u32 $0x180, s9  }
0x5: {  	s3 =	simm.s32 $0x0;
	s1 =	rddreg [dreg:$0x3]  }
0x6: {  	[smem:$0x7FF] =	sst s3;
	s4 =	sadd.s32 s5, s4  }
0x7: {  	_ =	strace $0x80000047;
	s5 =	simm.s32 $0x5;
	s4 =	sadd.s32 $0x800, s4  }
0x8: {  	[tilespmem:s3], [sflag:$0x5] =	stream.linear.gather [hbm4b:s4+s3], $0xC00, $0x38;
	[tilespmem:$0x18C00] =	vst v63  }
0x9: {  	_ =	swait.ge [sflag:s5], $0xC00  }
0xa: {  	s6 =	simm.s32 $0x180;
	[sflag:s5] =	ssyncset.done $0x0  }
0xb: {  	s7 =	simm.s32 $0xC00;
	s8 =	simm.s32 $0x1;
	[sflag:s5] =	ssyncadd.s32 $0xFFFFF400  }
0xc: {  	[tilespmem:s7], [sflag:$0x1] =	stream.indirect.gather [hbm4b:s2+s6], $0x80, s3, s6, $0xb8;
	[tilespmem:$0x18C00] =	vst v63  }
0xd: {  	s9 =	smul.u32 $0xC000, s9;
	_ =	swait.ge [sflag:s8], $0xC000  }
0xe: {  	[sflag:s8] =	ssyncset.done $0x0  }
0xf: {  	s9 =	sadd.s32 s10, s9;
	[sflag:s8] =	ssyncadd.s32 $0xFFFF4000  }
0x10: {  	[hbm4b:s9+s3] =	stream.linear.scatter [tilespmem:s7], [sflag:$0x3], $0xC000, $0x38;
	[tilespmem:$0x18C00] =	vst v63  }
0x11: {  	s11 =	simm.s32 $0x2;
	s10 =	simm.s32 $0xCC00  }
0x12: {  	[tilespmem:s10], [sflag:$0x2] =	stream.indirect.gather [hbm4b:s2+s6], $0x80, s6, s6, $0xb8;
	[tilespmem:$0x18C00] =	vst v63  }
0x13: {  	_ =	swait.ge [sflag:s11], $0xC000  }
0x14: {  	[sflag:s11] =	ssyncset.done $0x0  }
0x15: {  	s13 =	simm.s32 $0x3;
	s12 =	sadd.s32 $0x1800, s9;
	[sflag:s11] =	ssyncadd.s32 $0xFFFF4000  }
0x16: {  	[hbm4b:s12+s3] =	stream.linear.scatter [tilespmem:s10], [sflag:$0x4], $0xC000, $0x38;
	[tilespmem:$0x18C00] =	vst v63  }
0x17: {  	_ =	swait.ge [sflag:s13], $0xC000  }
0x18: {  	[sflag:s13] =	ssyncset.done $0x0  }
0x19: {  	s14 =	simm.s32 $0x300;
	[sflag:s13] =	ssyncadd.s32 $0xFFFF4000  }
0x1a: {  	[tilespmem:s7], [sflag:$0x1] =	stream.indirect.gather [hbm4b:s2+s6], $0x80, s14, s6, $0xb8;
	[tilespmem:$0x18C00] =	vst v63  }
0x1b: {  	_ =	swait.ge [sflag:s8], $0xC000  }
0x1c: {  	[sflag:s8] =	ssyncset.done $0x0  }
0x1d: {  	s15 =	simm.s32 $0x4;
	s16 =	sadd.s32 $0x3000, s9;
	[sflag:s8] =	ssyncadd.s32 $0xFFFF4000  }
0x1e: {  	[hbm4b:s16+s3] =	stream.linear.scatter [tilespmem:s7], [sflag:$0x3], $0xC000, $0x38;
	[tilespmem:$0x18C00] =	vst v63  }
0x1f: {  	_ =	swait.ge [sflag:s15], $0xC000  }
0x20: {  	[sflag:s15] =	ssyncset.done $0x0  }
0x21: {  	s17 =	simm.s32 $0x480;
	[sflag:s15] =	ssyncadd.s32 $0xFFFF4000  }
0x22: {  	[tilespmem:s10], [sflag:$0x2] =	stream.indirect.gather [hbm4b:s2+s6], $0x80, s17, s6, $0xb8;
	[tilespmem:$0x18C00] =	vst v63  }
0x23: {  	_ =	swait.ge [sflag:s11], $0xC000  }
0x24: {  	[sflag:s11] =	ssyncset.done $0x0  }
0x25: {  	s18 =	sadd.s32 $0x4800, s9;
	[sflag:s11] =	ssyncadd.s32 $0xFFFF4000  }
0x26: {  	[hbm4b:s18+s3] =	stream.linear.scatter [tilespmem:s10], [sflag:$0x4], $0xC000, $0x38;
	[tilespmem:$0x18C00] =	vst v63  }
0x27: {  	_ =	swait.ge [sflag:s13], $0xC000  }
0x28: {  	[sflag:s13] =	ssyncset.done $0x0  }
0x29: {  	s19 =	simm.s32 $0x600;
	[sflag:s13] =	ssyncadd.s32 $0xFFFF4000  }
0x2a: {  	[tilespmem:s7], [sflag:$0x1] =	stream.indirect.gather [hbm4b:s2+s6], $0x80, s19, s6, $0xb8;
	[tilespmem:$0x18C00] =	vst v63  }
0x2b: {  	_ =	swait.ge [sflag:s8], $0xC000  }
0x2c: {  	[sflag:s8] =	ssyncset.done $0x0  }
0x2d: {  	s20 =	sadd.s32 $0x6000, s9;
	[sflag:s8] =	ssyncadd.s32 $0xFFFF4000  }
0x2e: {  	[hbm4b:s20+s3] =	stream.linear.scatter [tilespmem:s7], [sflag:$0x3], $0xC000, $0x38;
	[tilespmem:$0x18C00] =	vst v63  }
0x2f: {  	_ =	swait.ge [sflag:s15], $0xC000  }
0x30: {  	[sflag:s15] =	ssyncset.done $0x0  }
0x31: {  	s21 =	simm.s32 $0x780;
	[sflag:s15] =	ssyncadd.s32 $0xFFFF4000  }
0x32: {  	[tilespmem:s10], [sflag:$0x2] =	stream.indirect.gather [hbm4b:s2+s6], $0x80, s21, s6, $0xb8;
	[tilespmem:$0x18C00] =	vst v63  }
0x33: {  	_ =	swait.ge [sflag:s11], $0xC000  }
0x34: {  	[sflag:s11] =	ssyncset.done $0x0  }
0x35: {  	s22 =	sadd.s32 $0x7800, s9;
	[sflag:s11] =	ssyncadd.s32 $0xFFFF4000  }
0x36: {  	[hbm4b:s22+s3] =	stream.linear.scatter [tilespmem:s10], [sflag:$0x4], $0xC000, $0x38;
	[tilespmem:$0x18C00] =	vst v63  }
0x37: {  	_ =	swait.ge [sflag:s13], $0xC000  }
0x38: {  	[sflag:s13] =	ssyncset.done $0x0  }
0x39: {  	s23 =	simm.s32 $0x900;
	[sflag:s13] =	ssyncadd.s32 $0xFFFF4000  }
0x3a: {  	[tilespmem:s7], [sflag:$0x1] =	stream.indirect.gather [hbm4b:s2+s6], $0x80, s23, s6, $0xb8;
	[tilespmem:$0x18C00] =	vst v63  }
0x3b: {  	_ =	swait.ge [sflag:s8], $0xC000  }
0x3c: {  	[sflag:s8] =	ssyncset.done $0x0  }
0x3d: {  	s24 =	sadd.s32 $0x9000, s9;
	[sflag:s8] =	ssyncadd.s32 $0xFFFF4000  }
0x3e: {  	[hbm4b:s24+s3] =	stream.linear.scatter [tilespmem:s7], [sflag:$0x3], $0xC000, $0x38;
	[tilespmem:$0x18C00] =	vst v63  }
0x3f: {  	_ =	swait.ge [sflag:s15], $0xC000  }
0x40: {  	s28 =	ssub.s32 $0x2, s26;
	[sflag:s15] =	ssyncset.done $0x0  }
0x41: {  	s25 =	simm.s32 $0xA80;
	s29 =	sshrl.u32 s28, $0x1;
	[sflag:s15] =	ssyncadd.s32 $0xFFFF4000  }
0x42: {  	[tilespmem:s10], [sflag:$0x2] =	stream.indirect.gather [hbm4b:s2+s6], $0x80, s25, s6, $0xb8;
	[tilespmem:$0x18C00] =	vst v63  }
0x43: {  	s28 =	ssub.s32 s28, s29;
	_ =	swait.ge [sflag:s11], $0xC000  }
0x44: {  	s28 =	smax.u32 s28, $0x1;
	[sflag:s11] =	ssyncset.done $0x0  }
0x45: {  	s26 =	sadd.s32 $0xA800, s9;
	p0 =	sne.s32 s28, $0x1;
	[sflag:s11] =	ssyncadd.s32 $0xFFFF4000  }
0x46: {  	[hbm4b:s26+s3] =	stream.linear.scatter [tilespmem:s10], [sflag:$0x4], $0xC000, $0x38;
	[tilespmem:$0x18C00] =	vst v63  }
.Ltmp0:
0x47: {  	_ =	swait.ge [sflag:s13], $0xC000;
	(pc) =	sbr.rel @!p0 .LBB2_2-.Ltmp0, $4  }
0x48: {  	[sflag:s13] =	ssyncset.done $0x0  }
0x49: {  	[sflag:s13] =	ssyncadd.s32 $0xFFFF4000  }
0x4a: {  	_ =	swait.ge [sflag:s15], $0xC000  }
0x4b: {  	s28 =	sadd.s32 $0xFFFFFFFF, s28;
	[sflag:s15] =	ssyncset.done $0x0  }
.LBB2_1:
0x4c: {  	p0 =	sne.s32 s28, $0x1;
	s28 =	sadd.s32 $0xFFFFFFFF, s28;
	[sflag:s15] =	ssyncadd.s32 $0xFFFF4000  }
0x4d: {  	[tilespmem:s3], [sflag:$0x5] =	stream.linear.gather [hbm4b:s4+s3], $0xC00, $0x38;
	[tilespmem:$0x18C00] =	vst v63  }
0x4e: {  	_ =	swait.ge [sflag:s5], $0xC00  }
0x4f: {  	[sflag:s5] =	ssyncset.done $0x0  }
0x50: {  	[sflag:s5] =	ssyncadd.s32 $0xFFFFF400  }
0x51: {  	[tilespmem:s7], [sflag:$0x1] =	stream.indirect.gather [hbm4b:s2+s6], $0x80, s3, s6, $0xb8;
	[tilespmem:$0x18C00] =	vst v63  }
0x52: {  	_ =	swait.ge [sflag:s8], $0xC000  }
0x53: {  	[sflag:s8] =	ssyncset.done $0x0  }
0x54: {  	[sflag:s8] =	ssyncadd.s32 $0xFFFF4000  }
0x55: {  	[hbm4b:s9+s3] =	stream.linear.scatter [tilespmem:s7], [sflag:$0x3], $0xC000, $0x38;
	[tilespmem:$0x18C00] =	vst v63  }
0x56: {  	_ = 	snop  }
0x57: {  	[tilespmem:s10], [sflag:$0x2] =	stream.indirect.gather [hbm4b:s2+s6], $0x80, s6, s6, $0xb8;
	[tilespmem:$0x18C00] =	vst v63  }
0x58: {  	_ =	swait.ge [sflag:s11], $0xC000  }
0x59: {  	[sflag:s11] =	ssyncset.done $0x0  }
0x5a: {  	[sflag:s11] =	ssyncadd.s32 $0xFFFF4000  }
0x5b: {  	[hbm4b:s12+s3] =	stream.linear.scatter [tilespmem:s10], [sflag:$0x4], $0xC000, $0x38;
	[tilespmem:$0x18C00] =	vst v63  }
0x5c: {  	_ =	swait.ge [sflag:s13], $0xC000  }
0x5d: {  	[sflag:s13] =	ssyncset.done $0x0  }
0x5e: {  	[sflag:s13] =	ssyncadd.s32 $0xFFFF4000  }
0x5f: {  	[tilespmem:s7], [sflag:$0x1] =	stream.indirect.gather [hbm4b:s2+s6], $0x80, s14, s6, $0xb8;
	[tilespmem:$0x18C00] =	vst v63  }
0x60: {  	_ =	swait.ge [sflag:s8], $0xC000  }
0x61: {  	[sflag:s8] =	ssyncset.done $0x0  }
0x62: {  	[sflag:s8] =	ssyncadd.s32 $0xFFFF4000  }
0x63: {  	[hbm4b:s16+s3] =	stream.linear.scatter [tilespmem:s7], [sflag:$0x3], $0xC000, $0x38;
	[tilespmem:$0x18C00] =	vst v63  }
0x64: {  	_ =	swait.ge [sflag:s15], $0xC000  }
0x65: {  	[sflag:s15] =	ssyncset.done $0x0  }
0x66: {  	[sflag:s15] =	ssyncadd.s32 $0xFFFF4000  }
0x67: {  	[tilespmem:s10], [sflag:$0x2] =	stream.indirect.gather [hbm4b:s2+s6], $0x80, s17, s6, $0xb8;
	[tilespmem:$0x18C00] =	vst v63  }
0x68: {  	_ =	swait.ge [sflag:s11], $0xC000  }
0x69: {  	[sflag:s11] =	ssyncset.done $0x0  }
0x6a: {  	[sflag:s11] =	ssyncadd.s32 $0xFFFF4000  }
0x6b: {  	[hbm4b:s18+s3] =	stream.linear.scatter [tilespmem:s10], [sflag:$0x4], $0xC000, $0x38;
	[tilespmem:$0x18C00] =	vst v63  }
0x6c: {  	_ =	swait.ge [sflag:s13], $0xC000  }
0x6d: {  	[sflag:s13] =	ssyncset.done $0x0  }
0x6e: {  	[sflag:s13] =	ssyncadd.s32 $0xFFFF4000  }
0x6f: {  	[tilespmem:s7], [sflag:$0x1] =	stream.indirect.gather [hbm4b:s2+s6], $0x80, s19, s6, $0xb8;
	[tilespmem:$0x18C00] =	vst v63  }
0x70: {  	_ =	swait.ge [sflag:s8], $0xC000  }
0x71: {  	[sflag:s8] =	ssyncset.done $0x0  }
0x72: {  	[sflag:s8] =	ssyncadd.s32 $0xFFFF4000  }
0x73: {  	[hbm4b:s20+s3] =	stream.linear.scatter [tilespmem:s7], [sflag:$0x3], $0xC000, $0x38;
	[tilespmem:$0x18C00] =	vst v63  }
0x74: {  	_ =	swait.ge [sflag:s15], $0xC000  }
0x75: {  	[sflag:s15] =	ssyncset.done $0x0  }
0x76: {  	[sflag:s15] =	ssyncadd.s32 $0xFFFF4000  }
0x77: {  	[tilespmem:s10], [sflag:$0x2] =	stream.indirect.gather [hbm4b:s2+s6], $0x80, s21, s6, $0xb8;
	[tilespmem:$0x18C00] =	vst v63  }
0x78: {  	_ =	swait.ge [sflag:s11], $0xC000  }
0x79: {  	[sflag:s11] =	ssyncset.done $0x0  }
0x7a: {  	[sflag:s11] =	ssyncadd.s32 $0xFFFF4000  }
0x7b: {  	[hbm4b:s22+s3] =	stream.linear.scatter [tilespmem:s10], [sflag:$0x4], $0xC000, $0x38;
	[tilespmem:$0x18C00] =	vst v63  }
0x7c: {  	_ =	swait.ge [sflag:s13], $0xC000  }
0x7d: {  	[sflag:s13] =	ssyncset.done $0x0  }
0x7e: {  	[sflag:s13] =	ssyncadd.s32 $0xFFFF4000  }
0x7f: {  	[tilespmem:s7], [sflag:$0x1] =	stream.indirect.gather [hbm4b:s2+s6], $0x80, s23, s6, $0xb8;
	[tilespmem:$0x18C00] =	vst v63  }
0x80: {  	_ =	swait.ge [sflag:s8], $0xC000  }
0x81: {  	[sflag:s8] =	ssyncset.done $0x0  }
0x82: {  	[sflag:s8] =	ssyncadd.s32 $0xFFFF4000  }
0x83: {  	[hbm4b:s24+s3] =	stream.linear.scatter [tilespmem:s7], [sflag:$0x3], $0xC000, $0x38;
	[tilespmem:$0x18C00] =	vst v63  }
0x84: {  	_ =	swait.ge [sflag:s15], $0xC000  }
0x85: {  	[sflag:s15] =	ssyncset.done $0x0  }
0x86: {  	[sflag:s15] =	ssyncadd.s32 $0xFFFF4000  }
0x87: {  	[tilespmem:s10], [sflag:$0x2] =	stream.indirect.gather [hbm4b:s2+s6], $0x80, s25, s6, $0xb8;
	[tilespmem:$0x18C00] =	vst v63  }
0x88: {  	_ =	swait.ge [sflag:s11], $0xC000  }
0x89: {  	[sflag:s11] =	ssyncset.done $0x0  }
0x8a: {  	[sflag:s11] =	ssyncadd.s32 $0xFFFF4000  }
0x8b: {  	[hbm4b:s26+s3] =	stream.linear.scatter [tilespmem:s10], [sflag:$0x4], $0xC000, $0x38;
	[tilespmem:$0x18C00] =	vst v63  }
.Ltmp1:
0x8c: {  	_ =	swait.ge [sflag:s13], $0xC000;
	(pc) =	sbr.rel @p0 .LBB2_1-.Ltmp1, $4  }
0x8d: {  	[sflag:s13] =	ssyncset.done $0x0  }
0x8e: {  	[sflag:s13] =	ssyncadd.s32 $0xFFFF4000  }
0x8f: {  	_ =	swait.ge [sflag:s15], $0xC000  }
0x90: {  	[sflag:s15] =	ssyncset.done $0x0  }
.LBB2_2:
0x91: {  	[sflag:s15] =	ssyncadd.s32 $0xFFFF4000  }
0x92: {  	_ =	sfence.sel $0x180000  }
0x93: {  	[bflag:$0x0] =	sbarrier.arrive $0xFFFF  }
0x94: {  	p0 =	sne.s32 s0, $0x0;
	_ =	strace $0x90000047  }
0x95: {  	s0 =	sadd.s32 @!p0 $0x100000, s1;
	[bflag:$0x2] =	sbarrier.arrive $0xFFFF  }
0x96: {  	[sflag:s0] =	ssyncadd.tile.s32 @!p0 $0x1;
	_ =	shalt  }
.Lfunc_end2:
_tile_overlayer_lowered:
.L_overlay_start_2:
0x97: {  	(tag) =	ssettag $0x2  }
0x98: {  	s0 =	rddreg [dreg:$0x0];
	s2 =	stileid.u32  }
0x99: {  	s1 =	rddreg [dreg:$0x1];
	p0 =	sne.s32 s2, $0x0  }
0x9a: {  	s3 =	rddreg [dreg:$0x2];
	[bflag:$0x3] =	sbarrier.arrive $0xFFFF;
	s2 =	simm.s32 @!p0 $0x1C05  }
0x9b: {  	[timem:s3], [sflag:s2] =	dma.local @!p0 [hbm:s0], s1  }
0x9c: {  	s0 =	simm.s32 @!p0 $0x5  }
0x9d: {  	_ =	swait.ge @!p0 [sflag:s0], s1  }
0x9e: {  	s1 =	ssub.s32 @!p0 $0x0, s1;
	[sflag:s0] =	ssyncset.done @!p0 $0x0  }
0x9f: {  	[sflag:s0] =	ssyncadd.s32 @!p0 s1  }
0xa0: {  	[bflag:$0x3] =	sbarrier.arrive $0xFFFF  }
0xa1: {  	_ =	shalt  }

</sc_bundles>
